<compile_context>
chip_gen: v7x
topology: tpu7x:2x2x1
jax: 0.10.2.dev20260603
libtpu: 0.0.44.dev20260713+nightly
codegen_flags: <defaults>
</compile_context>

<pallas_src>
import functools

import jax
import jax.numpy as jnp
from jax import lax
from jax.experimental import pallas as pl
from jax.experimental.pallas import tpu as pltpu
from jax.experimental.pallas import tpu_sc as plsc

_STYLE_NUM = 100
_FRAME_NUM = 1000
_LATENT_DIM = 64
_B = 16384

_NC = 2
_NS = 16
_NW = _NC * _NS
_CHQ = 2048
_L = 16

_SENT = 127 << 10

_DO_SCAN = True
_DO_PROC = False


def _gather_body(style_hbm, frame_hbm, lat_hbm, out_hbm,
                 sbuf, fbuf, ml, bl, plane_v, rows16, psem, osem):
    wid = lax.axis_index("s") * _NC + lax.axis_index("c")
    lo = wid * _STYLE_NUM // _NW
    hi = (wid + 1) * _STYLE_NUM // _NW

    iota = lax.iota(jnp.int32, _L)
    didx = [iota + k * _L for k in range(_LATENT_DIM // _L)]
    sent16 = jnp.full((_L,), _SENT, jnp.int32)

    def scan_chunk(q, cnt):
        pltpu.sync_copy(style_hbm.at[pl.ds(q * _CHQ, _CHQ)], sbuf)
        pltpu.sync_copy(frame_hbm.at[pl.ds(q * _CHQ, _CHQ)], fbuf)

        def scan_vreg(g, c):
            s16 = sbuf[pl.ds(g * _L, _L)]
            f16 = fbuf[pl.ds(g * _L, _L)]
            posv = jnp.full((_L,), q * _CHQ + g * _L, jnp.int32) + iota
            mask = (s16 >= lo) & (s16 < hi)
            v = posv * 131072 + s16 * 1024 + f16
            plsc.store_compressed(ml.at[pl.ds(c, _L)], v, mask=mask)
            return c + plsc.all_reduce_population_count(mask)[0]

        return lax.fori_loop(0, _CHQ // _L, scan_vreg, cnt)

    if _DO_SCAN:
        cnt = lax.fori_loop(0, _B // _CHQ, scan_chunk, jnp.int32(0))
    else:
        cnt = jnp.int32(512)
    ml[pl.ds(cnt, _L)] = sent16
    n_mvreg = (cnt + _L - 1) // _L

    def style_step(b, carry):
        cnt2, gblk = carry
        s = lo + b
        cp = pltpu.async_copy(lat_hbm.at[s], plane_v, psem)

        def bucket_vreg(m, c):
            v16 = ml[pl.ds(m * _L, _L)]
            mask = ((v16 >> 10) & 127) == s
            plsc.store_compressed(bl.at[pl.ds(c, _L)], v16, mask=mask)
            return c + plsc.all_reduce_population_count(mask)[0]

        c_end = lax.fori_loop(0, n_mvreg, bucket_vreg, cnt2)
        last_v = bl[pl.ds(jnp.maximum(c_end - 1, 0), _L)][0]
        bl[pl.ds(c_end, _L)] = lax.broadcast(last_v, (_L,))
        nblk = (c_end - cnt2 + _L - 1) // _L
        cp.wait()

        def block(t, gb):
            @pl.when(gb >= 2)
            def _():
                pltpu.make_async_copy(
                    rows16.at[0], out_hbm.at[pl.ds(0, _L)], osem).wait()

            buf = gb % 2
            blk = bl[pl.ds(cnt2 + t * _L, _L)]
            for i in range(_L):
                v = blk[i]
                f = v & 1023
                pos = lax.shift_right_logical(v, 17)
                fidx = lax.broadcast(f, (_L,))
                for k in range(_LATENT_DIM // _L):
                    rows16[buf, i, pl.ds(k * _L, _L)] = plsc.load_gather(
                        plane_v, [didx[k], fidx])
                pltpu.async_copy(rows16.at[buf, i], out_hbm.at[pos], osem)
            return gb + 1

        if _DO_PROC:
            gblk = lax.fori_loop(0, nblk, block, gblk)
        return cnt2 + nblk * _L, gblk

    _, gblk = lax.fori_loop(0, hi - lo, style_step,
                            (jnp.int32(0), jnp.int32(0)))

    def final_drain(r, c):
        pltpu.make_async_copy(
            rows16.at[0], out_hbm.at[pl.ds(0, _L)], osem).wait()
        return c

    lax.fori_loop(0, jnp.minimum(gblk, 2), final_drain, 0)


@jax.jit
def _sc_gather(style_ids, frame_ids, lat_t):
    mesh = plsc.VectorSubcoreMesh(core_axis_name="c", subcore_axis_name="s")
    return pl.kernel(
        _gather_body,
        out_type=jax.ShapeDtypeStruct((_B, _LATENT_DIM), jnp.float32),
        mesh=mesh,
        scratch_types=[
            pltpu.VMEM((_CHQ,), jnp.int32),
            pltpu.VMEM((_CHQ,), jnp.int32),
            pltpu.VMEM((_B + _L,), jnp.int32),
            pltpu.VMEM((_B + 8 * _L,), jnp.int32),
            pltpu.VMEM((_LATENT_DIM, _FRAME_NUM), jnp.float32),
            pltpu.VMEM((2, _L, _LATENT_DIM), jnp.float32),
            pltpu.SemaphoreType.DMA,
            pltpu.SemaphoreType.DMA,
        ],
        compiler_params=pltpu.CompilerParams(
            use_tc_tiling_on_sc=True, needs_layout_passes=False),
    )(style_ids, frame_ids, lat_t)


def kernel(style_ids, frame_ids, type, latents, style_latents_mu):
    del type, style_latents_mu
    return _sc_gather(style_ids, frame_ids,
                      jnp.transpose(latents, (0, 2, 1)))

# --- scband reference (transcript-rebuilt; emitter-appended) ---
"""Pipeline reference for scband-style-latents-variational-3393024164034 (READ-ONLY COPY).

The authoritative reference and input builder live on the scoring server;
editing this copy changes nothing except your own understanding.
"""

import jax, jax.numpy as jnp
import numpy as np

STYLE_NUM = 100
FRAME_NUM = 1000
LATENT_DIM = 64
B = 16384
SIGMA_SCALE = 1.0


def setup_inputs(seed: int = 0) -> dict:
    key = jax.random.key(seed)
    k1, k2, k3, k4, k5 = jax.random.split(key, 5)
    style_ids = jax.random.randint(k1, (B,), 0, STYLE_NUM, dtype=jnp.int32)
    frame_ids = jax.random.randint(k2, (B,), 0, FRAME_NUM, dtype=jnp.int32)
    latents = jax.random.normal(k3, (STYLE_NUM, FRAME_NUM, LATENT_DIM), dtype=jnp.float32)
    style_latents_mu = jax.random.normal(k4, (STYLE_NUM, LATENT_DIM), dtype=jnp.float32)
    # type selects the code path; any non-'llff' value (here int 0) takes the default branch
    return {
        "style_ids": style_ids,
        "frame_ids": frame_ids,
        "type": 0,
        "latents": latents,
        "style_latents_mu": style_latents_mu,
    }


def reference(style_ids, frame_ids, type, latents, style_latents_mu):
    flat_ids = style_ids * FRAME_NUM + frame_ids
    lat_flat = latents.reshape(-1, LATENT_DIM)
    if type == 'llff':
        lat_flat = jnp.tile(lat_flat, (7, 1))
    lat = jnp.take(lat_flat, flat_ids, axis=0)
    mu = jnp.take(style_latents_mu, style_ids, axis=0)
    out = mu + SIGMA_SCALE * (lat - mu)
    return out

if __name__ == "__main__":
    import jax
    _d = setup_inputs()
    print(jax.jit(kernel)(*tuple(_d.values())))

</pallas_src>

<mosaic_0001>
#map = affine_map<(d0, d1) -> (0)>
#map1 = affine_map<(d0, d1) -> (0, 0, 0)>
#map2 = affine_map<(d0, d1) -> (0, 0)>
module attributes {stable_mosaic.version = 14 : i64} {
  func.func @_gather_body(%arg0: i32, %arg1: i32, %arg2: memref<16384xi32, #tpu.memory_space<hbm>>, %arg3: memref<16384xi32, #tpu.memory_space<hbm>>, %arg4: memref<100x64x1000xf32, #tpu.memory_space<hbm>>, %arg5: memref<16384x64xf32, #tpu.memory_space<hbm>>, %arg6: memref<2048xi32, #tpu.memory_space<vmem>>, %arg7: memref<2048xi32, #tpu.memory_space<vmem>>, %arg8: memref<16400xi32, #tpu.memory_space<vmem>>, %arg9: memref<16512xi32, #tpu.memory_space<vmem>>, %arg10: memref<64x1000xf32, #tpu.memory_space<vmem>>, %arg11: memref<2x16x64xf32, #tpu.memory_space<vmem>>, %arg12: memref<!tpu.dma_semaphore, #tpu.memory_space<semaphore_mem>>, %arg13: memref<!tpu.dma_semaphore, #tpu.memory_space<semaphore_mem>>) attributes {dimension_semantics = [#tpu.dimension_semantics<core_parallel>, #tpu.dimension_semantics<subcore_parallel>], iteration_bounds = array<i64: 2, 16>, scalar_prefetch = 0 : i64, scratch_operands = 8 : i64, tpu.core_type = #tpu.core_type<sc_vector_subcore>, window_params = [{transform_indices = #map}, {transform_indices = #map}, {transform_indices = #map1}, {transform_indices = #map2}]} {
    %mul3A = arith.constant 2 : i32
    %mul3A_0 = arith.muli %arg1, %mul3A : i32
    %add3A = arith.addi %mul3A_0, %arg0 : i32
    %mul3A_1 = arith.constant 100 : i32
    %mul3A_2 = arith.muli %add3A, %mul3A_1 : i32
    %jit3A = arith.constant 32 : i32
    %div3A = arith.divsi %mul3A_2, %jit3A : i32
    %sign3A = arith.constant 0 : i32
    %sign3A_3 = arith.cmpi sgt, %mul3A_2, %sign3A : i32
    %sign3A_4 = arith.extui %sign3A_3 : i1 to i32
    %sign3A_5 = arith.constant 0 : i32
    %sign3A_6 = arith.cmpi slt, %mul3A_2, %sign3A_5 : i32
    %sign3A_7 = arith.extui %sign3A_6 : i1 to i32
    %sign3A_8 = arith.subi %sign3A_4, %sign3A_7 : i32
    %sign3A_9 = arith.constant 0 : i32
    %sign3A_10 = arith.cmpi sgt, %jit3A, %sign3A_9 : i32
    %sign3A_11 = arith.extui %sign3A_10 : i1 to i32
    %sign3A_12 = arith.constant 0 : i32
    %sign3A_13 = arith.cmpi slt, %jit3A, %sign3A_12 : i32
    %sign3A_14 = arith.extui %sign3A_13 : i1 to i32
    %sign3A_15 = arith.subi %sign3A_11, %sign3A_14 : i32
    %ne3A = arith.cmpi ne, %sign3A_8, %sign3A_15 : i32
    %rem3A = arith.remsi %mul3A_2, %jit3A : i32
    %ne3A_16 = arith.constant 0 : i32
    %ne3A_17 = arith.cmpi ne, %rem3A, %ne3A_16 : i32
    %and3A = arith.andi %ne3A, %ne3A_17 : i1
    %sub3A = arith.constant 1 : i32
    %sub3A_18 = arith.subi %div3A, %sub3A : i32
    %select_n3A = arith.select %and3A, %sub3A_18, %div3A : i32
    %add3A_19 = arith.constant 1 : i32
    %add3A_20 = arith.addi %add3A, %add3A_19 : i32
    %mul3A_21 = arith.constant 100 : i32
    %mul3A_22 = arith.muli %add3A_20, %mul3A_21 : i32
    %jit3A_23 = arith.constant 32 : i32
    %div3A_24 = arith.divsi %mul3A_22, %jit3A_23 : i32
    %sign3A_25 = arith.constant 0 : i32
    %sign3A_26 = arith.cmpi sgt, %mul3A_22, %sign3A_25 : i32
    %sign3A_27 = arith.extui %sign3A_26 : i1 to i32
    %sign3A_28 = arith.constant 0 : i32
    %sign3A_29 = arith.cmpi slt, %mul3A_22, %sign3A_28 : i32
    %sign3A_30 = arith.extui %sign3A_29 : i1 to i32
    %sign3A_31 = arith.subi %sign3A_27, %sign3A_30 : i32
    %sign3A_32 = arith.constant 0 : i32
    %sign3A_33 = arith.cmpi sgt, %jit3A_23, %sign3A_32 : i32
    %sign3A_34 = arith.extui %sign3A_33 : i1 to i32
    %sign3A_35 = arith.constant 0 : i32
    %sign3A_36 = arith.cmpi slt, %jit3A_23, %sign3A_35 : i32
    %sign3A_37 = arith.extui %sign3A_36 : i1 to i32
    %sign3A_38 = arith.subi %sign3A_34, %sign3A_37 : i32
    %ne3A_39 = arith.cmpi ne, %sign3A_31, %sign3A_38 : i32
    %rem3A_40 = arith.remsi %mul3A_22, %jit3A_23 : i32
    %ne3A_41 = arith.constant 0 : i32
    %ne3A_42 = arith.cmpi ne, %rem3A_40, %ne3A_41 : i32
    %and3A_43 = arith.andi %ne3A_39, %ne3A_42 : i1
    %sub3A_44 = arith.constant 1 : i32
    %sub3A_45 = arith.subi %div3A_24, %sub3A_44 : i32
    %select_n3A_46 = arith.select %and3A_43, %sub3A_45, %div3A_24 : i32
    %iota3A = tpu.iota {dimensions = array<i32: 0>} : vector<16xi32>
    %add3A_47 = arith.constant 0 : i32
    %add3A_48 = vector.broadcast %add3A_47 : i32 to vector<16xi32>
    %add3A_49 = arith.addi %iota3A, %add3A_48 : vector<16xi32>
    %add3A_50 = arith.constant 16 : i32
    %add3A_51 = vector.broadcast %add3A_50 : i32 to vector<16xi32>
    %add3A_52 = arith.addi %iota3A, %add3A_51 : vector<16xi32>
    %add3A_53 = arith.constant 32 : i32
    %add3A_54 = vector.broadcast %add3A_53 : i32 to vector<16xi32>
    %add3A_55 = arith.addi %iota3A, %add3A_54 : vector<16xi32>
    %add3A_56 = arith.constant 48 : i32
    %add3A_57 = vector.broadcast %add3A_56 : i32 to vector<16xi32>
    %add3A_58 = arith.addi %iota3A, %add3A_57 : vector<16xi32>
    %broadcast_in_dim3A = arith.constant 130048 : i32
    %broadcast_in_dim3A_59 = vector.broadcast %broadcast_in_dim3A : i32 to vector<16xi32>
    %scan3A = arith.constant 0 : i32
    %scan3A_60 = arith.constant 0 : i32
    %scan3A_61 = arith.constant 8 : i32
    %scan3A_62 = arith.addi %scan3A_60, %scan3A_61 : i32
    %scan3A_63 = arith.constant 1 : i32
    %scan3A_64 = scf.for %scan3A_120 = %scan3A_60 to %scan3A_62 step %scan3A_63 iter_args(%scan3A_121 = %scan3A) -> (i32)  : i32 {
      %mul3A_122 = arith.constant 2048 : i32
      %mul3A_123 = arith.muli %scan3A_120, %mul3A_122 : i32
      "tpu.region"() ({
        %run_scoped3A = tpu.sem_alloc : memref<!tpu.dma_semaphore, #tpu.memory_space<semaphore_mem>>
        %dma_start3A = tpu.memref_slice %arg2[%mul3A_123] : memref<16384xi32, #tpu.memory_space<hbm>> -> memref<2048xi32, #tpu.memory_space<hbm>>
        %dma_start3A_132 = tpu.memref_slice %arg2[%mul3A_123] : memref<16384xi32, #tpu.memory_space<hbm>> -> memref<2048xi32, #tpu.memory_space<hbm>>
        tpu.enqueue_dma source(%dma_start3A_132 : memref<2048xi32, #tpu.memory_space<hbm>>) target(%arg6 : memref<2048xi32, #tpu.memory_space<vmem>>) target_semaphore(%run_scoped3A : memref<!tpu.dma_semaphore, #tpu.memory_space<semaphore_mem>>)
        %dma_wait3A = tpu.memref_slice %arg2[%mul3A_123] : memref<16384xi32, #tpu.memory_space<hbm>> -> memref<2048xi32, #tpu.memory_space<hbm>>
        %dma_wait3A_133 = tpu.memref_slice %arg2[%mul3A_123] : memref<16384xi32, #tpu.memory_space<hbm>> -> memref<2048xi32, #tpu.memory_space<hbm>>
        tpu.wait_dma2 semaphore(%run_scoped3A : memref<!tpu.dma_semaphore, #tpu.memory_space<semaphore_mem>>) src(%dma_wait3A_133 : memref<2048xi32, #tpu.memory_space<hbm>>) dst(%arg6 : memref<2048xi32, #tpu.memory_space<vmem>>)
        tpu.yield
      }) : () -> ()
      %mul3A_124 = arith.constant 2048 : i32
      %mul3A_125 = arith.muli %scan3A_120, %mul3A_124 : i32
      "tpu.region"() ({
        %run_scoped3A = tpu.sem_alloc : memref<!tpu.dma_semaphore, #tpu.memory_space<semaphore_mem>>
        %dma_start3A = tpu.memref_slice %arg3[%mul3A_125] : memref<16384xi32, #tpu.memory_space<hbm>> -> memref<2048xi32, #tpu.memory_space<hbm>>
        %dma_start3A_132 = tpu.memref_slice %arg3[%mul3A_125] : memref<16384xi32, #tpu.memory_space<hbm>> -> memref<2048xi32, #tpu.memory_space<hbm>>
        tpu.enqueue_dma source(%dma_start3A_132 : memref<2048xi32, #tpu.memory_space<hbm>>) target(%arg7 : memref<2048xi32, #tpu.memory_space<vmem>>) target_semaphore(%run_scoped3A : memref<!tpu.dma_semaphore, #tpu.memory_space<semaphore_mem>>)
        %dma_wait3A = tpu.memref_slice %arg3[%mul3A_125] : memref<16384xi32, #tpu.memory_space<hbm>> -> memref<2048xi32, #tpu.memory_space<hbm>>
        %dma_wait3A_133 = tpu.memref_slice %arg3[%mul3A_125] : memref<16384xi32, #tpu.memory_space<hbm>> -> memref<2048xi32, #tpu.memory_space<hbm>>
        tpu.wait_dma2 semaphore(%run_scoped3A : memref<!tpu.dma_semaphore, #tpu.memory_space<semaphore_mem>>) src(%dma_wait3A_133 : memref<2048xi32, #tpu.memory_space<hbm>>) dst(%arg7 : memref<2048xi32, #tpu.memory_space<vmem>>)
        tpu.yield
      }) : () -> ()
      %scan3A_126 = arith.constant 0 : i32
      %scan3A_127 = arith.constant 128 : i32
      %scan3A_128 = arith.addi %scan3A_126, %scan3A_127 : i32
      %scan3A_129 = arith.constant 1 : i32
      %scan3A_130 = scf.for %scan3A_132 = %scan3A_126 to %scan3A_128 step %scan3A_129 iter_args(%scan3A_133 = %scan3A_121) -> (i32)  : i32 {
        %mul3A_134 = arith.constant 16 : i32
        %mul3A_135 = arith.muli %scan3A_132, %mul3A_134 : i32
        %get3A = arith.index_cast %mul3A_135 : i32 to index
        %get3A_136 = tpu.vector_load %arg6[%get3A] {strides = array<i32>} : memref<2048xi32, #tpu.memory_space<vmem>>, vector<16xi32>,
        %mul3A_137 = arith.constant 16 : i32
        %mul3A_138 = arith.muli %scan3A_132, %mul3A_137 : i32
        %get3A_139 = arith.index_cast %mul3A_138 : i32 to index
        %get3A_140 = tpu.vector_load %arg7[%get3A_139] {strides = array<i32>} : memref<2048xi32, #tpu.memory_space<vmem>>, vector<16xi32>,
        %mul3A_141 = arith.constant 2048 : i32
        %mul3A_142 = arith.muli %scan3A_120, %mul3A_141 : i32
        %mul3A_143 = arith.constant 16 : i32
        %mul3A_144 = arith.muli %scan3A_132, %mul3A_143 : i32
        %add3A_145 = arith.addi %mul3A_142, %mul3A_144 : i32
        %broadcast_in_dim3A_146 = vector.broadcast %add3A_145 : i32 to vector<16xi32>
        %add3A_147 = arith.addi %broadcast_in_dim3A_146, %iota3A : vector<16xi32>
        %ge3A = vector.broadcast %select_n3A : i32 to vector<16xi32>
        %ge3A_148 = arith.cmpi sge, %get3A_136, %ge3A : vector<16xi32>
        %lt3A = vector.broadcast %select_n3A_46 : i32 to vector<16xi32>
        %lt3A_149 = arith.cmpi slt, %get3A_136, %lt3A : vector<16xi32>
        %and3A_150 = arith.andi %ge3A_148, %lt3A_149 : vector<16xi1>
        %mul3A_151 = arith.constant 131072 : i32
        %mul3A_152 = vector.broadcast %mul3A_151 : i32 to vector<16xi32>
        %mul3A_153 = arith.muli %add3A_147, %mul3A_152 : vector<16xi32>
        %mul3A_154 = arith.constant 1024 : i32
        %mul3A_155 = vector.broadcast %mul3A_154 : i32 to vector<16xi32>
        %mul3A_156 = arith.muli %get3A_136, %mul3A_155 : vector<16xi32>
        %add3A_157 = arith.addi %mul3A_153, %mul3A_156 : vector<16xi32>
        %add3A_158 = arith.addi %add3A_157, %get3A_140 : vector<16xi32>
        %swap3A_159 = arith.index_cast %scan3A_133 : i32 to index
        %swap3A_160 = tpu.vector_load %arg8[%swap3A_159] masked %and3A_150 {strides = array<i32>} : memref<16400xi32, #tpu.memory_space<vmem>>, vector<16xi32>, vector<16xi1>
        tpu.vector_store %arg8[%swap3A_159], %add3A_158 masked %and3A_150 {strides = array<i32>} : memref<16400xi32, #tpu.memory_space<vmem>>, vector<16xi32>, vector<16xi1>
        %all_reduce_population_count3A = tpu.all_reduce %and3A_150 {dim = 0 : i64, kind = #tpu.reduction_kind<sum>} : vector<16xi1> -> vector<16xi32>
        %slice3A = vector.extract_strided_slice %all_reduce_population_count3A {offsets = [0], sizes = [1], strides = [1]} : vector<16xi32> to vector<1xi32>
        %squeeze3A = vector.extract %slice3A[0] : i32 from vector<1xi32>
        %add3A_161 = arith.addi %scan3A_133, %squeeze3A : i32
        scf.yield %add3A_161 : i32
      }
      %scan3A_131 = arith.constant 128 : i32
      scf.yield %scan3A_130 : i32
    }
    %scan3A_65 = arith.constant 8 : i32
    %swap3A = arith.index_cast %scan3A_64 : i32 to index
    %swap3A_66 = tpu.vector_load %arg8[%swap3A] {strides = array<i32>} : memref<16400xi32, #tpu.memory_space<vmem>>, vector<16xi32>,
    tpu.vector_store %arg8[%swap3A], %broadcast_in_dim3A_59 {strides = array<i32>} : memref<16400xi32, #tpu.memory_space<vmem>>, vector<16xi32>,
    %add3A_67 = arith.constant 16 : i32
    %add3A_68 = arith.addi %scan3A_64, %add3A_67 : i32
    %sub3A_69 = arith.constant 1 : i32
    %sub3A_70 = arith.subi %add3A_68, %sub3A_69 : i32
    %jit3A_71 = arith.constant 16 : i32
    %div3A_72 = arith.divsi %sub3A_70, %jit3A_71 : i32
    %sign3A_73 = arith.constant 0 : i32
    %sign3A_74 = arith.cmpi sgt, %sub3A_70, %sign3A_73 : i32
    %sign3A_75 = arith.extui %sign3A_74 : i1 to i32
    %sign3A_76 = arith.constant 0 : i32
    %sign3A_77 = arith.cmpi slt, %sub3A_70, %sign3A_76 : i32
    %sign3A_78 = arith.extui %sign3A_77 : i1 to i32
    %sign3A_79 = arith.subi %sign3A_75, %sign3A_78 : i32
    %sign3A_80 = arith.constant 0 : i32
    %sign3A_81 = arith.cmpi sgt, %jit3A_71, %sign3A_80 : i32
    %sign3A_82 = arith.extui %sign3A_81 : i1 to i32
    %sign3A_83 = arith.constant 0 : i32
    %sign3A_84 = arith.cmpi slt, %jit3A_71, %sign3A_83 : i32
    %sign3A_85 = arith.extui %sign3A_84 : i1 to i32
    %sign3A_86 = arith.subi %sign3A_82, %sign3A_85 : i32
    %ne3A_87 = arith.cmpi ne, %sign3A_79, %sign3A_86 : i32
    %rem3A_88 = arith.remsi %sub3A_70, %jit3A_71 : i32
    %ne3A_89 = arith.constant 0 : i32
    %ne3A_90 = arith.cmpi ne, %rem3A_88, %ne3A_89 : i32
    %and3A_91 = arith.andi %ne3A_87, %ne3A_90 : i1
    %sub3A_92 = arith.constant 1 : i32
    %sub3A_93 = arith.subi %div3A_72, %sub3A_92 : i32
    %select_n3A_94 = arith.select %and3A_91, %sub3A_93, %div3A_72 : i32
    %sub3A_95 = arith.subi %select_n3A_46, %select_n3A : i32
    %while3A = arith.constant 0 : i32
    %while3A_96 = arith.constant 0 : i32
    %while3A_97 = arith.constant 0 : i32
    %while3A_98 = arith.subi %sub3A_95, %while3A_96 : i32
    %while3A_99 = arith.addi %while3A_96, %while3A_98 : i32
    %while3A_100 = arith.constant 1 : i32
    %while3A_101 = arith.divsi %while3A_98, %while3A_100 : i32
    %while3A_102 = arith.muli %while3A_101, %while3A_100 : i32
    %while3A_103 = arith.addi %while3A_96, %while3A_102 : i32
    %while3A_104 = arith.constant 1 : i32
    %while3A_105 = scf.for %while3A_120 = %while3A_96 to %while3A_103 step %while3A_104 iter_args(%while3A_121 = %while3A_97) -> (i32)  : i32 {
      %add3A_122 = arith.addi %select_n3A, %while3A_120 : i32
      %dma_start3A = arith.constant 0 : i32
      %dma_start3A_123 = arith.constant 0 : i32
      %dma_start3A_124 = tpu.memref_slice %arg4[%add3A_122, %dma_start3A, %dma_start3A_123] : memref<100x64x1000xf32, #tpu.memory_space<hbm>> -> memref<1x64x1000xf32, #tpu.memory_space<hbm>>
      %dma_start3A_125 = tpu.memref_squeeze %dma_start3A_124 : memref<1x64x1000xf32, #tpu.memory_space<hbm>> -> memref<64x1000xf32, #tpu.memory_space<hbm>>
      %dma_start3A_126 = arith.constant 0 : i32
      %dma_start3A_127 = arith.constant 0 : i32
      %dma_start3A_128 = tpu.memref_slice %arg4[%add3A_122, %dma_start3A_126, %dma_start3A_127] : memref<100x64x1000xf32, #tpu.memory_space<hbm>> -> memref<1x64x1000xf32, #tpu.memory_space<hbm>>
      %dma_start3A_129 = tpu.memref_squeeze %dma_start3A_128 : memref<1x64x1000xf32, #tpu.memory_space<hbm>> -> memref<64x1000xf32, #tpu.memory_space<hbm>>
      tpu.enqueue_dma source(%dma_start3A_129 : memref<64x1000xf32, #tpu.memory_space<hbm>>) target(%arg10 : memref<64x1000xf32, #tpu.memory_space<vmem>>) target_semaphore(%arg12 : memref<!tpu.dma_semaphore, #tpu.memory_space<semaphore_mem>>)
      %while3A_130 = arith.constant 0 : i32
      %while3A_131 = arith.subi %select_n3A_94, %while3A_130 : i32
      %while3A_132 = arith.addi %while3A_130, %while3A_131 : i32
      %while3A_133 = arith.constant 1 : i32
      %while3A_134 = arith.divsi %while3A_131, %while3A_133 : i32
      %while3A_135 = arith.muli %while3A_134, %while3A_133 : i32
      %while3A_136 = arith.addi %while3A_130, %while3A_135 : i32
      %while3A_137 = arith.constant 1 : i32
      %while3A_138 = scf.for %while3A_187 = %while3A_130 to %while3A_136 step %while3A_137 iter_args(%while3A_188 = %while3A_121) -> (i32)  : i32 {
        %mul3A_189 = arith.constant 16 : i32
        %mul3A_190 = arith.muli %while3A_187, %mul3A_189 : i32
        %get3A_191 = arith.index_cast %mul3A_190 : i32 to index
        %get3A_192 = tpu.vector_load %arg8[%get3A_191] {strides = array<i32>} : memref<16400xi32, #tpu.memory_space<vmem>>, vector<16xi32>,
        %shift_right_arithmetic3A = arith.constant 10 : i32
        %shift_right_arithmetic3A_193 = vector.broadcast %shift_right_arithmetic3A : i32 to vector<16xi32>
        %shift_right_arithmetic3A_194 = arith.shrsi %get3A_192, %shift_right_arithmetic3A_193 : vector<16xi32>
        %and3A_195 = arith.constant 127 : i32
        %and3A_196 = vector.broadcast %and3A_195 : i32 to vector<16xi32>
        %and3A_197 = arith.andi %shift_right_arithmetic3A_194, %and3A_196 : vector<16xi32>
        %eq3A = vector.broadcast %add3A_122 : i32 to vector<16xi32>
        %eq3A_198 = arith.cmpi eq, %and3A_197, %eq3A : vector<16xi32>
        %swap3A_199 = arith.index_cast %while3A_188 : i32 to index
        %swap3A_200 = tpu.vector_load %arg9[%swap3A_199] masked %eq3A_198 {strides = array<i32>} : memref<16512xi32, #tpu.memory_space<vmem>>, vector<16xi32>, vector<16xi1>
        tpu.vector_store %arg9[%swap3A_199], %get3A_192 masked %eq3A_198 {strides = array<i32>} : memref<16512xi32, #tpu.memory_space<vmem>>, vector<16xi32>, vector<16xi1>
        %all_reduce_population_count3A = tpu.all_reduce %eq3A_198 {dim = 0 : i64, kind = #tpu.reduction_kind<sum>} : vector<16xi1> -> vector<16xi32>
        %slice3A_201 = vector.extract_strided_slice %all_reduce_population_count3A {offsets = [0], sizes = [1], strides = [1]} : vector<16xi32> to vector<1xi32>
        %squeeze3A_202 = vector.extract %slice3A_201[0] : i32 from vector<1xi32>
        %add3A_203 = arith.addi %while3A_188, %squeeze3A_202 : i32
        scf.yield %add3A_203 : i32
      }
      %while3A_139 = arith.constant 1 : i32
      %while3A_140 = scf.for %while3A_187 = %while3A_136 to %while3A_132 step %while3A_139 iter_args(%while3A_188 = %while3A_138) -> (i32)  : i32 {
        %mul3A_189 = arith.constant 16 : i32
        %mul3A_190 = arith.muli %while3A_187, %mul3A_189 : i32
        %get3A_191 = arith.index_cast %mul3A_190 : i32 to index
        %get3A_192 = tpu.vector_load %arg8[%get3A_191] {strides = array<i32>} : memref<16400xi32, #tpu.memory_space<vmem>>, vector<16xi32>,
        %shift_right_arithmetic3A = arith.constant 10 : i32
        %shift_right_arithmetic3A_193 = vector.broadcast %shift_right_arithmetic3A : i32 to vector<16xi32>
        %shift_right_arithmetic3A_194 = arith.shrsi %get3A_192, %shift_right_arithmetic3A_193 : vector<16xi32>
        %and3A_195 = arith.constant 127 : i32
        %and3A_196 = vector.broadcast %and3A_195 : i32 to vector<16xi32>
        %and3A_197 = arith.andi %shift_right_arithmetic3A_194, %and3A_196 : vector<16xi32>
        %eq3A = vector.broadcast %add3A_122 : i32 to vector<16xi32>
        %eq3A_198 = arith.cmpi eq, %and3A_197, %eq3A : vector<16xi32>
        %swap3A_199 = arith.index_cast %while3A_188 : i32 to index
        %swap3A_200 = tpu.vector_load %arg9[%swap3A_199] masked %eq3A_198 {strides = array<i32>} : memref<16512xi32, #tpu.memory_space<vmem>>, vector<16xi32>, vector<16xi1>
        tpu.vector_store %arg9[%swap3A_199], %get3A_192 masked %eq3A_198 {strides = array<i32>} : memref<16512xi32, #tpu.memory_space<vmem>>, vector<16xi32>, vector<16xi1>
        %all_reduce_population_count3A = tpu.all_reduce %eq3A_198 {dim = 0 : i64, kind = #tpu.reduction_kind<sum>} : vector<16xi1> -> vector<16xi32>
        %slice3A_201 = vector.extract_strided_slice %all_reduce_population_count3A {offsets = [0], sizes = [1], strides = [1]} : vector<16xi32> to vector<1xi32>
        %squeeze3A_202 = vector.extract %slice3A_201[0] : i32 from vector<1xi32>
        %add3A_203 = arith.addi %while3A_188, %squeeze3A_202 : i32
        scf.yield %add3A_203 : i32
      }
      %sub3A_141 = arith.constant 1 : i32
      %sub3A_142 = arith.subi %while3A_140, %sub3A_141 : i32
      %max3A = arith.constant 0 : i32
      %max3A_143 = arith.maxsi %sub3A_142, %max3A : i32
      %get3A = arith.index_cast %max3A_143 : i32 to index
      %get3A_144 = tpu.vector_load %arg9[%get3A] {strides = array<i32>} : memref<16512xi32, #tpu.memory_space<vmem>>, vector<16xi32>,
      %slice3A = vector.extract_strided_slice %get3A_144 {offsets = [0], sizes = [1], strides = [1]} : vector<16xi32> to vector<1xi32>
      %squeeze3A = vector.extract %slice3A[0] : i32 from vector<1xi32>
      %broadcast_in_dim3A_145 = vector.broadcast %squeeze3A : i32 to vector<16xi32>
      %swap3A_146 = arith.index_cast %while3A_140 : i32 to index
      %swap3A_147 = tpu.vector_load %arg9[%swap3A_146] {strides = array<i32>} : memref<16512xi32, #tpu.memory_space<vmem>>, vector<16xi32>,
      tpu.vector_store %arg9[%swap3A_146], %broadcast_in_dim3A_145 {strides = array<i32>} : memref<16512xi32, #tpu.memory_space<vmem>>, vector<16xi32>,
      %sub3A_148 = arith.subi %while3A_140, %while3A_121 : i32
      %add3A_149 = arith.constant 16 : i32
      %add3A_150 = arith.addi %sub3A_148, %add3A_149 : i32
      %sub3A_151 = arith.constant 1 : i32
      %sub3A_152 = arith.subi %add3A_150, %sub3A_151 : i32
      %jit3A_153 = arith.constant 16 : i32
      %div3A_154 = arith.divsi %sub3A_152, %jit3A_153 : i32
      %sign3A_155 = arith.constant 0 : i32
      %sign3A_156 = arith.cmpi sgt, %sub3A_152, %sign3A_155 : i32
      %sign3A_157 = arith.extui %sign3A_156 : i1 to i32
      %sign3A_158 = arith.constant 0 : i32
      %sign3A_159 = arith.cmpi slt, %sub3A_152, %sign3A_158 : i32
      %sign3A_160 = arith.extui %sign3A_159 : i1 to i32
      %sign3A_161 = arith.subi %sign3A_157, %sign3A_160 : i32
      %sign3A_162 = arith.constant 0 : i32
      %sign3A_163 = arith.cmpi sgt, %jit3A_153, %sign3A_162 : i32
      %sign3A_164 = arith.extui %sign3A_163 : i1 to i32
      %sign3A_165 = arith.constant 0 : i32
      %sign3A_166 = arith.cmpi slt, %jit3A_153, %sign3A_165 : i32
      %sign3A_167 = arith.extui %sign3A_166 : i1 to i32
      %sign3A_168 = arith.subi %sign3A_164, %sign3A_167 : i32
      %ne3A_169 = arith.cmpi ne, %sign3A_161, %sign3A_168 : i32
      %rem3A_170 = arith.remsi %sub3A_152, %jit3A_153 : i32
      %ne3A_171 = arith.constant 0 : i32
      %ne3A_172 = arith.cmpi ne, %rem3A_170, %ne3A_171 : i32
      %and3A_173 = arith.andi %ne3A_169, %ne3A_172 : i1
      %sub3A_174 = arith.constant 1 : i32
      %sub3A_175 = arith.subi %div3A_154, %sub3A_174 : i32
      %select_n3A_176 = arith.select %and3A_173, %sub3A_175, %div3A_154 : i32
      %dma_wait3A = arith.constant 0 : i32
      %dma_wait3A_177 = arith.constant 0 : i32
      %dma_wait3A_178 = tpu.memref_slice %arg4[%add3A_122, %dma_wait3A, %dma_wait3A_177] : memref<100x64x1000xf32, #tpu.memory_space<hbm>> -> memref<1x64x1000xf32, #tpu.memory_space<hbm>>
      %dma_wait3A_179 = tpu.memref_squeeze %dma_wait3A_178 : memref<1x64x1000xf32, #tpu.memory_space<hbm>> -> memref<64x1000xf32, #tpu.memory_space<hbm>>
      %dma_wait3A_180 = arith.constant 0 : i32
      %dma_wait3A_181 = arith.constant 0 : i32
      %dma_wait3A_182 = tpu.memref_slice %arg4[%add3A_122, %dma_wait3A_180, %dma_wait3A_181] : memref<100x64x1000xf32, #tpu.memory_space<hbm>> -> memref<1x64x1000xf32, #tpu.memory_space<hbm>>
      %dma_wait3A_183 = tpu.memref_squeeze %dma_wait3A_182 : memref<1x64x1000xf32, #tpu.memory_space<hbm>> -> memref<64x1000xf32, #tpu.memory_space<hbm>>
      tpu.wait_dma2 semaphore(%arg12 : memref<!tpu.dma_semaphore, #tpu.memory_space<semaphore_mem>>) src(%dma_wait3A_183 : memref<64x1000xf32, #tpu.memory_space<hbm>>) dst(%arg10 : memref<64x1000xf32, #tpu.memory_space<vmem>>)
      %mul3A_184 = arith.constant 16 : i32
      %mul3A_185 = arith.muli %select_n3A_176, %mul3A_184 : i32
      %add3A_186 = arith.addi %while3A_121, %mul3A_185 : i32
      scf.yield %add3A_186 : i32
    }
    %while3A_106 = arith.constant 1 : i32
    %while3A_107 = scf.for %while3A_120 = %while3A_103 to %while3A_99 step %while3A_106 iter_args(%while3A_121 = %while3A_105) -> (i32)  : i32 {
      %add3A_122 = arith.addi %select_n3A, %while3A_120 : i32
      %dma_start3A = arith.constant 0 : i32
      %dma_start3A_123 = arith.constant 0 : i32
      %dma_start3A_124 = tpu.memref_slice %arg4[%add3A_122, %dma_start3A, %dma_start3A_123] : memref<100x64x1000xf32, #tpu.memory_space<hbm>> -> memref<1x64x1000xf32, #tpu.memory_space<hbm>>
      %dma_start3A_125 = tpu.memref_squeeze %dma_start3A_124 : memref<1x64x1000xf32, #tpu.memory_space<hbm>> -> memref<64x1000xf32, #tpu.memory_space<hbm>>
      %dma_start3A_126 = arith.constant 0 : i32
      %dma_start3A_127 = arith.constant 0 : i32
      %dma_start3A_128 = tpu.memref_slice %arg4[%add3A_122, %dma_start3A_126, %dma_start3A_127] : memref<100x64x1000xf32, #tpu.memory_space<hbm>> -> memref<1x64x1000xf32, #tpu.memory_space<hbm>>
      %dma_start3A_129 = tpu.memref_squeeze %dma_start3A_128 : memref<1x64x1000xf32, #tpu.memory_space<hbm>> -> memref<64x1000xf32, #tpu.memory_space<hbm>>
      tpu.enqueue_dma source(%dma_start3A_129 : memref<64x1000xf32, #tpu.memory_space<hbm>>) target(%arg10 : memref<64x1000xf32, #tpu.memory_space<vmem>>) target_semaphore(%arg12 : memref<!tpu.dma_semaphore, #tpu.memory_space<semaphore_mem>>)
      %while3A_130 = arith.constant 0 : i32
      %while3A_131 = arith.subi %select_n3A_94, %while3A_130 : i32
      %while3A_132 = arith.addi %while3A_130, %while3A_131 : i32
      %while3A_133 = arith.constant 1 : i32
      %while3A_134 = arith.divsi %while3A_131, %while3A_133 : i32
      %while3A_135 = arith.muli %while3A_134, %while3A_133 : i32
      %while3A_136 = arith.addi %while3A_130, %while3A_135 : i32
      %while3A_137 = arith.constant 1 : i32
      %while3A_138 = scf.for %while3A_187 = %while3A_130 to %while3A_136 step %while3A_137 iter_args(%while3A_188 = %while3A_121) -> (i32)  : i32 {
        %mul3A_189 = arith.constant 16 : i32
        %mul3A_190 = arith.muli %while3A_187, %mul3A_189 : i32
        %get3A_191 = arith.index_cast %mul3A_190 : i32 to index
        %get3A_192 = tpu.vector_load %arg8[%get3A_191] {strides = array<i32>} : memref<16400xi32, #tpu.memory_space<vmem>>, vector<16xi32>,
        %shift_right_arithmetic3A = arith.constant 10 : i32
        %shift_right_arithmetic3A_193 = vector.broadcast %shift_right_arithmetic3A : i32 to vector<16xi32>
        %shift_right_arithmetic3A_194 = arith.shrsi %get3A_192, %shift_right_arithmetic3A_193 : vector<16xi32>
        %and3A_195 = arith.constant 127 : i32
        %and3A_196 = vector.broadcast %and3A_195 : i32 to vector<16xi32>
        %and3A_197 = arith.andi %shift_right_arithmetic3A_194, %and3A_196 : vector<16xi32>
        %eq3A = vector.broadcast %add3A_122 : i32 to vector<16xi32>
        %eq3A_198 = arith.cmpi eq, %and3A_197, %eq3A : vector<16xi32>
        %swap3A_199 = arith.index_cast %while3A_188 : i32 to index
        %swap3A_200 = tpu.vector_load %arg9[%swap3A_199] masked %eq3A_198 {strides = array<i32>} : memref<16512xi32, #tpu.memory_space<vmem>>, vector<16xi32>, vector<16xi1>
        tpu.vector_store %arg9[%swap3A_199], %get3A_192 masked %eq3A_198 {strides = array<i32>} : memref<16512xi32, #tpu.memory_space<vmem>>, vector<16xi32>, vector<16xi1>
        %all_reduce_population_count3A = tpu.all_reduce %eq3A_198 {dim = 0 : i64, kind = #tpu.reduction_kind<sum>} : vector<16xi1> -> vector<16xi32>
        %slice3A_201 = vector.extract_strided_slice %all_reduce_population_count3A {offsets = [0], sizes = [1], strides = [1]} : vector<16xi32> to vector<1xi32>
        %squeeze3A_202 = vector.extract %slice3A_201[0] : i32 from vector<1xi32>
        %add3A_203 = arith.addi %while3A_188, %squeeze3A_202 : i32
        scf.yield %add3A_203 : i32
      }
      %while3A_139 = arith.constant 1 : i32
      %while3A_140 = scf.for %while3A_187 = %while3A_136 to %while3A_132 step %while3A_139 iter_args(%while3A_188 = %while3A_138) -> (i32)  : i32 {
        %mul3A_189 = arith.constant 16 : i32
        %mul3A_190 = arith.muli %while3A_187, %mul3A_189 : i32
        %get3A_191 = arith.index_cast %mul3A_190 : i32 to index
        %get3A_192 = tpu.vector_load %arg8[%get3A_191] {strides = array<i32>} : memref<16400xi32, #tpu.memory_space<vmem>>, vector<16xi32>,
        %shift_right_arithmetic3A = arith.constant 10 : i32
        %shift_right_arithmetic3A_193 = vector.broadcast %shift_right_arithmetic3A : i32 to vector<16xi32>
        %shift_right_arithmetic3A_194 = arith.shrsi %get3A_192, %shift_right_arithmetic3A_193 : vector<16xi32>
        %and3A_195 = arith.constant 127 : i32
        %and3A_196 = vector.broadcast %and3A_195 : i32 to vector<16xi32>
        %and3A_197 = arith.andi %shift_right_arithmetic3A_194, %and3A_196 : vector<16xi32>
        %eq3A = vector.broadcast %add3A_122 : i32 to vector<16xi32>
        %eq3A_198 = arith.cmpi eq, %and3A_197, %eq3A : vector<16xi32>
        %swap3A_199 = arith.index_cast %while3A_188 : i32 to index
        %swap3A_200 = tpu.vector_load %arg9[%swap3A_199] masked %eq3A_198 {strides = array<i32>} : memref<16512xi32, #tpu.memory_space<vmem>>, vector<16xi32>, vector<16xi1>
        tpu.vector_store %arg9[%swap3A_199], %get3A_192 masked %eq3A_198 {strides = array<i32>} : memref<16512xi32, #tpu.memory_space<vmem>>, vector<16xi32>, vector<16xi1>
        %all_reduce_population_count3A = tpu.all_reduce %eq3A_198 {dim = 0 : i64, kind = #tpu.reduction_kind<sum>} : vector<16xi1> -> vector<16xi32>
        %slice3A_201 = vector.extract_strided_slice %all_reduce_population_count3A {offsets = [0], sizes = [1], strides = [1]} : vector<16xi32> to vector<1xi32>
        %squeeze3A_202 = vector.extract %slice3A_201[0] : i32 from vector<1xi32>
        %add3A_203 = arith.addi %while3A_188, %squeeze3A_202 : i32
        scf.yield %add3A_203 : i32
      }
      %sub3A_141 = arith.constant 1 : i32
      %sub3A_142 = arith.subi %while3A_140, %sub3A_141 : i32
      %max3A = arith.constant 0 : i32
      %max3A_143 = arith.maxsi %sub3A_142, %max3A : i32
      %get3A = arith.index_cast %max3A_143 : i32 to index
      %get3A_144 = tpu.vector_load %arg9[%get3A] {strides = array<i32>} : memref<16512xi32, #tpu.memory_space<vmem>>, vector<16xi32>,
      %slice3A = vector.extract_strided_slice %get3A_144 {offsets = [0], sizes = [1], strides = [1]} : vector<16xi32> to vector<1xi32>
      %squeeze3A = vector.extract %slice3A[0] : i32 from vector<1xi32>
      %broadcast_in_dim3A_145 = vector.broadcast %squeeze3A : i32 to vector<16xi32>
      %swap3A_146 = arith.index_cast %while3A_140 : i32 to index
      %swap3A_147 = tpu.vector_load %arg9[%swap3A_146] {strides = array<i32>} : memref<16512xi32, #tpu.memory_space<vmem>>, vector<16xi32>,
      tpu.vector_store %arg9[%swap3A_146], %broadcast_in_dim3A_145 {strides = array<i32>} : memref<16512xi32, #tpu.memory_space<vmem>>, vector<16xi32>,
      %sub3A_148 = arith.subi %while3A_140, %while3A_121 : i32
      %add3A_149 = arith.constant 16 : i32
      %add3A_150 = arith.addi %sub3A_148, %add3A_149 : i32
      %sub3A_151 = arith.constant 1 : i32
      %sub3A_152 = arith.subi %add3A_150, %sub3A_151 : i32
      %jit3A_153 = arith.constant 16 : i32
      %div3A_154 = arith.divsi %sub3A_152, %jit3A_153 : i32
      %sign3A_155 = arith.constant 0 : i32
      %sign3A_156 = arith.cmpi sgt, %sub3A_152, %sign3A_155 : i32
      %sign3A_157 = arith.extui %sign3A_156 : i1 to i32
      %sign3A_158 = arith.constant 0 : i32
      %sign3A_159 = arith.cmpi slt, %sub3A_152, %sign3A_158 : i32
      %sign3A_160 = arith.extui %sign3A_159 : i1 to i32
      %sign3A_161 = arith.subi %sign3A_157, %sign3A_160 : i32
      %sign3A_162 = arith.constant 0 : i32
      %sign3A_163 = arith.cmpi sgt, %jit3A_153, %sign3A_162 : i32
      %sign3A_164 = arith.extui %sign3A_163 : i1 to i32
      %sign3A_165 = arith.constant 0 : i32
      %sign3A_166 = arith.cmpi slt, %jit3A_153, %sign3A_165 : i32
      %sign3A_167 = arith.extui %sign3A_166 : i1 to i32
      %sign3A_168 = arith.subi %sign3A_164, %sign3A_167 : i32
      %ne3A_169 = arith.cmpi ne, %sign3A_161, %sign3A_168 : i32
      %rem3A_170 = arith.remsi %sub3A_152, %jit3A_153 : i32
      %ne3A_171 = arith.constant 0 : i32
      %ne3A_172 = arith.cmpi ne, %rem3A_170, %ne3A_171 : i32
      %and3A_173 = arith.andi %ne3A_169, %ne3A_172 : i1
      %sub3A_174 = arith.constant 1 : i32
      %sub3A_175 = arith.subi %div3A_154, %sub3A_174 : i32
      %select_n3A_176 = arith.select %and3A_173, %sub3A_175, %div3A_154 : i32
      %dma_wait3A = arith.constant 0 : i32
      %dma_wait3A_177 = arith.constant 0 : i32
      %dma_wait3A_178 = tpu.memref_slice %arg4[%add3A_122, %dma_wait3A, %dma_wait3A_177] : memref<100x64x1000xf32, #tpu.memory_space<hbm>> -> memref<1x64x1000xf32, #tpu.memory_space<hbm>>
      %dma_wait3A_179 = tpu.memref_squeeze %dma_wait3A_178 : memref<1x64x1000xf32, #tpu.memory_space<hbm>> -> memref<64x1000xf32, #tpu.memory_space<hbm>>
      %dma_wait3A_180 = arith.constant 0 : i32
      %dma_wait3A_181 = arith.constant 0 : i32
      %dma_wait3A_182 = tpu.memref_slice %arg4[%add3A_122, %dma_wait3A_180, %dma_wait3A_181] : memref<100x64x1000xf32, #tpu.memory_space<hbm>> -> memref<1x64x1000xf32, #tpu.memory_space<hbm>>
      %dma_wait3A_183 = tpu.memref_squeeze %dma_wait3A_182 : memref<1x64x1000xf32, #tpu.memory_space<hbm>> -> memref<64x1000xf32, #tpu.memory_space<hbm>>
      tpu.wait_dma2 semaphore(%arg12 : memref<!tpu.dma_semaphore, #tpu.memory_space<semaphore_mem>>) src(%dma_wait3A_183 : memref<64x1000xf32, #tpu.memory_space<hbm>>) dst(%arg10 : memref<64x1000xf32, #tpu.memory_space<vmem>>)
      %mul3A_184 = arith.constant 16 : i32
      %mul3A_185 = arith.muli %select_n3A_176, %mul3A_184 : i32
      %add3A_186 = arith.addi %while3A_121, %mul3A_185 : i32
      scf.yield %add3A_186 : i32
    }
    %min3A = arith.constant 0 : i32
    %min3A_108 = arith.constant 2 : i32
    %min3A_109 = arith.minsi %min3A, %min3A_108 : i32
    %while3A_110 = arith.constant 0 : i32
    %while3A_111 = arith.constant 0 : i32
    %while3A_112 = arith.subi %min3A_109, %while3A_111 : i32
    %while3A_113 = arith.addi %while3A_111, %while3A_112 : i32
    %while3A_114 = arith.constant 1 : i32
    %while3A_115 = arith.divsi %while3A_112, %while3A_114 : i32
    %while3A_116 = arith.muli %while3A_115, %while3A_114 : i32
    %while3A_117 = arith.addi %while3A_111, %while3A_116 : i32
    %while3A_118 = arith.constant 1 : i32
    scf.for %while3A_120 = %while3A_111 to %while3A_117 step %while3A_118  : i32 {
      %dma_wait3A = arith.constant 0 : i32
      %dma_wait3A_121 = arith.constant 0 : i32
      %dma_wait3A_122 = arith.constant 0 : i32
      %dma_wait3A_123 = tpu.memref_slice %arg11[%dma_wait3A, %dma_wait3A_121, %dma_wait3A_122] : memref<2x16x64xf32, #tpu.memory_space<vmem>> -> memref<1x16x64xf32, #tpu.memory_space<vmem>>
      %dma_wait3A_124 = tpu.memref_squeeze %dma_wait3A_123 : memref<1x16x64xf32, #tpu.memory_space<vmem>> -> memref<16x64xf32, #tpu.memory_space<vmem>>
      %dma_wait3A_125 = arith.constant 0 : i32
      %dma_wait3A_126 = arith.constant 0 : i32
      %dma_wait3A_127 = tpu.memref_slice %arg5[%dma_wait3A_125, %dma_wait3A_126] : memref<16384x64xf32, #tpu.memory_space<hbm>> -> memref<16x64xf32, #tpu.memory_space<hbm>>
      %dma_wait3A_128 = arith.constant 0 : i32
      %dma_wait3A_129 = arith.constant 0 : i32
      %dma_wait3A_130 = tpu.memref_slice %arg5[%dma_wait3A_128, %dma_wait3A_129] : memref<16384x64xf32, #tpu.memory_space<hbm>> -> memref<16x64xf32, #tpu.memory_space<hbm>>
      %dma_wait3A_131 = arith.constant 0 : i32
      %dma_wait3A_132 = arith.constant 0 : i32
      %dma_wait3A_133 = tpu.memref_slice %arg11[%dma_wait3A, %dma_wait3A_131, %dma_wait3A_132] : memref<2x16x64xf32, #tpu.memory_space<vmem>> -> memref<1x16x64xf32, #tpu.memory_space<vmem>>
      %dma_wait3A_134 = tpu.memref_squeeze %dma_wait3A_133 : memref<1x16x64xf32, #tpu.memory_space<vmem>> -> memref<16x64xf32, #tpu.memory_space<vmem>>
      tpu.wait_dma2 semaphore(%arg13 : memref<!tpu.dma_semaphore, #tpu.memory_space<semaphore_mem>>) src(%dma_wait3A_134 : memref<16x64xf32, #tpu.memory_space<vmem>>) dst(%dma_wait3A_130 : memref<16x64xf32, #tpu.memory_space<hbm>>)
    }
    %while3A_119 = arith.constant 1 : i32
    scf.for %while3A_120 = %while3A_117 to %while3A_113 step %while3A_119  : i32 {
      %dma_wait3A = arith.constant 0 : i32
      %dma_wait3A_121 = arith.constant 0 : i32
      %dma_wait3A_122 = arith.constant 0 : i32
      %dma_wait3A_123 = tpu.memref_slice %arg11[%dma_wait3A, %dma_wait3A_121, %dma_wait3A_122] : memref<2x16x64xf32, #tpu.memory_space<vmem>> -> memref<1x16x64xf32, #tpu.memory_space<vmem>>
      %dma_wait3A_124 = tpu.memref_squeeze %dma_wait3A_123 : memref<1x16x64xf32, #tpu.memory_space<vmem>> -> memref<16x64xf32, #tpu.memory_space<vmem>>
      %dma_wait3A_125 = arith.constant 0 : i32
      %dma_wait3A_126 = arith.constant 0 : i32
      %dma_wait3A_127 = tpu.memref_slice %arg5[%dma_wait3A_125, %dma_wait3A_126] : memref<16384x64xf32, #tpu.memory_space<hbm>> -> memref<16x64xf32, #tpu.memory_space<hbm>>
      %dma_wait3A_128 = arith.constant 0 : i32
      %dma_wait3A_129 = arith.constant 0 : i32
      %dma_wait3A_130 = tpu.memref_slice %arg5[%dma_wait3A_128, %dma_wait3A_129] : memref<16384x64xf32, #tpu.memory_space<hbm>> -> memref<16x64xf32, #tpu.memory_space<hbm>>
      %dma_wait3A_131 = arith.constant 0 : i32
      %dma_wait3A_132 = arith.constant 0 : i32
      %dma_wait3A_133 = tpu.memref_slice %arg11[%dma_wait3A, %dma_wait3A_131, %dma_wait3A_132] : memref<2x16x64xf32, #tpu.memory_space<vmem>> -> memref<1x16x64xf32, #tpu.memory_space<vmem>>
      %dma_wait3A_134 = tpu.memref_squeeze %dma_wait3A_133 : memref<1x16x64xf32, #tpu.memory_space<vmem>> -> memref<16x64xf32, #tpu.memory_space<vmem>>
      tpu.wait_dma2 semaphore(%arg13 : memref<!tpu.dma_semaphore, #tpu.memory_space<semaphore_mem>>) src(%dma_wait3A_134 : memref<16x64xf32, #tpu.memory_space<vmem>>) dst(%dma_wait3A_130 : memref<16x64xf32, #tpu.memory_space<hbm>>)
    }
    return
  }
}

</mosaic_0001>

<sc_bundles>
// kernel: _sc_gather.3.cloned.1.call-start
scs
__scs_entry_jumppad:
0x0: {  	(pc) =	sbr.rel $0x88, $3  }
0x1: {  	(tag) =	ssettag $0x0;
	lr =	simm.s32 $0x1  }
0x2: {  	[smem:$0x3F9E] =	sst lr;
	_ =	strace $0xD0000000  }
0x3: {  	_ = 	snop  }
0x4: {  	_ = 	snop  }
0x5: {  	_ = 	snop  }
0x6: {  	_ = 	snop  }
0x7: {  	_ = 	snop  }
__scs_overlays_trampoline_lowered:
0x8: {  	[smem:$0x3FAD] =	sst s0  }
0x9: {  	[smem:$0x3FAE] =	sst s1  }
0xa: {  	[smem:$0x3FAF] =	sst s2  }
0xb: {  	[smem:$0x3FB0] =	sst s3  }
0xc: {  	[smem:$0x3FB1] =	sst s4  }
0xd: {  	[smem:$0x3FB2] =	sst s5  }
0xe: {  	[smem:$0x3FB3] =	sst s6  }
0xf: {  	[smem:$0x3FB4] =	sst s7  }
0x10: {  	[smem:$0x3FB5] =	sst s8  }
0x11: {  	[smem:$0x3FB6] =	sst s9;
	s0 =	simm.s32 @!p0 $0x0  }
0x12: {  	s1 =	sld [smem:$0x3F9C];
	s0 =	simm.s32 @p0 $0x1  }
0x13: {  	[smem:$0x3FB7] =	sst s0;
	s0 =	simm.s32 @!p1 $0x0  }
0x14: {  	s2 =	sld [smem:$0x3F9B];
	s0 =	simm.s32 @p1 $0x1  }
0x15: {  	[smem:$0x3FB8] =	sst s0;
	s0 =	simm.s32 @!p2 $0x0  }
0x16: {  	s3 =	sld [smem:$0x3FDB];
	s0 =	simm.s32 @p2 $0x1  }
0x17: {  	s4 =	simm.s32 $0x1BF5;
	[smem:$0x3FBA] =	sst s0  }
0x18: {  	s0 =	sld [smem:$0x3F9D];
	_ =	swait.ge [sflag:s4], $0x0  }
0x19: {  	s7 =	sld [smem:$0x3F9E]  }
0x1a: {  	s8 =	sadd.s32 $0xFFFFE003, lr  }
0x1b: {  	s9 =	sadd.s32 $0xFFFFFEF7, lr;
	s5 =	simm.s32 $0xFFFFFFFF;
	p2 =	slt.u32 s8, $0xFFFFF086  }
0x1c: {  	p1 =	slt.u32 s9, $0xF7A;
	s5 =	simm.s32 @!p2 $0x0  }
0x1d: {  	s5 =	simm.s32 @p1 $0x1;
	p0 =	seq.s32 s7, s2  }
0x1e: {  	s7 =	smul.u32 @!p0 $0xF7A, s2;
	p2 =	seq.s32 @!p0 s5, $0x0  }
0x1f: {  	s9 =	smul.u32 $0xF7A, s1;
	s8 =	simm.s32 @!p0 $0x1BF5;
	p2 =	por !p2, p0  }
0x20: {  	[sflag:s8] =	ssyncset.s32 @!p0 $0xFFFFF086;
	s6 =	sadd.s32 @!p0 s3, s7;
	s7 =	simm.s32 @!p0 $0x108  }
0x21: {  	s3 =	sadd.s32 s3, s9;
	s6 =	sadd.s32 @!p0 $0x88, s6;
	s7 =	simm.s32 @p2 $0x1082  }
0x22: {  	[simem:s7], [sflag:s8] =	dma.local @!p0 [hbm:s6], $0xF7A  }
0x23: {  	s9 =	sor.u32 $0xD0000000, s2;
	s6 =	simm.s32 $0x108;
	_ =	swait.ge @!p0 [sflag:s8], $0x0  }
0x24: {  	s3 =	sadd.s32 $0x88, s3;
	s6 =	simm.s32 @!p1 $0x1082;
	[sflag:s4] =	ssyncset.s32 $0xFFFFF086  }
0x25: {  	[simem:s6], [sflag:s4] =	dma.local [hbm:s3], $0xF7A  }
0x26: {  	[smem:$0x3F9E] =	sst s1;
	(tag) =	ssettag s2;
	_ =	strace s9  }
0x27: {  	s1 =	sld [smem:$0x3FAE]  }
0x28: {  	s2 =	sld [smem:$0x3FAF]  }
0x29: {  	s4 =	sld [smem:$0x3FB1]  }
0x2a: {  	p0 =	seq.s32 s5, $0x0;
	s5 =	sld [smem:$0x3FB2]  }
0x2b: {  	s6 =	sld [smem:$0x3FB3]  }
0x2c: {  	s7 =	sld [smem:$0x3FB4]  }
0x2d: {  	s3 =	simm.s32 $0x108;
	s8 =	sld [smem:$0x3FB5]  }
0x2e: {  	s3 =	simm.s32 @!p0 $0x1082;
	s9 =	sld [smem:$0x3FB6]  }
0x2f: {  	lr =	sadd.s32 s0, s3;
	s0 =	sld [smem:$0x3FAD]  }
0x30: {  	s3 =	sld [smem:$0x3FB0]  }
0x31: {  	[smem:$0x3FB9] =	sst s10  }
0x32: {  	s10 =	sld [smem:$0x3FB7];
	_ =	sdelay $0x3  }
0x33: {  	p0 =	seq.s32 s10, $0x1;
	s10 =	sld [smem:$0x3FB9];
	_ =	sdelay $0x3  }
0x34: {  	[smem:$0x3FB9] =	sst s10  }
0x35: {  	s10 =	sld [smem:$0x3FB8];
	_ =	sdelay $0x3  }
0x36: {  	p1 =	seq.s32 s10, $0x1;
	s10 =	sld [smem:$0x3FB9];
	_ =	sdelay $0x3  }
0x37: {  	[smem:$0x3FB9] =	sst s10  }
0x38: {  	s10 =	sld [smem:$0x3FBA]  }
0x39: {  	_ = 	snop;
	(pc) =	sbr.ind lr, $3  }
0x3a: {  	_ = 	snop  }
0x3b: {  	_ = 	snop  }
0x3c: {  	p2 =	seq.s32 s10, $0x1;
	s10 =	sld [smem:$0x3FB9]  }
0x3d: {  	_ =	shalt  }
0x3e: {  	_ =	shalt  }
0x3f: {  	_ =	shalt  }
0x40: {  	_ =	shalt  }
0x41: {  	_ =	shalt  }
0x42: {  	_ =	shalt  }
0x43: {  	_ =	shalt  }
0x44: {  	_ =	shalt  }
0x45: {  	_ =	shalt  }
0x46: {  	_ =	shalt  }
0x47: {  	_ =	shalt  }
0x48: {  	_ =	shalt  }
0x49: {  	_ =	shalt  }
0x4a: {  	_ =	shalt  }
0x4b: {  	_ =	shalt  }
0x4c: {  	_ =	shalt  }
0x4d: {  	_ =	shalt  }
0x4e: {  	_ =	shalt  }
0x4f: {  	_ =	shalt  }
0x50: {  	_ =	shalt  }
0x51: {  	_ =	shalt  }
0x52: {  	_ =	shalt  }
0x53: {  	_ =	shalt  }
0x54: {  	_ =	shalt  }
0x55: {  	_ =	shalt  }
0x56: {  	_ =	shalt  }
0x57: {  	_ =	shalt  }
0x58: {  	_ =	shalt  }
0x59: {  	_ =	shalt  }
0x5a: {  	_ =	shalt  }
0x5b: {  	_ =	shalt  }
0x5c: {  	_ =	shalt  }
0x5d: {  	_ =	shalt  }
0x5e: {  	_ =	shalt  }
0x5f: {  	_ =	shalt  }
0x60: {  	_ =	shalt  }
0x61: {  	_ =	shalt  }
0x62: {  	_ =	shalt  }
0x63: {  	_ =	shalt  }
0x64: {  	_ =	shalt  }
0x65: {  	_ =	shalt  }
0x66: {  	_ =	shalt  }
0x67: {  	_ =	shalt  }
0x68: {  	_ =	shalt  }
0x69: {  	_ =	shalt  }
0x6a: {  	_ =	shalt  }
0x6b: {  	_ =	shalt  }
0x6c: {  	_ =	shalt  }
0x6d: {  	_ =	shalt  }
0x6e: {  	_ =	shalt  }
0x6f: {  	_ =	shalt  }
0x70: {  	_ =	shalt  }
0x71: {  	_ =	shalt  }
0x72: {  	_ =	shalt  }
0x73: {  	_ =	shalt  }
0x74: {  	_ =	shalt  }
0x75: {  	_ =	shalt  }
0x76: {  	_ =	shalt  }
0x77: {  	_ =	shalt  }
0x78: {  	_ =	shalt  }
0x79: {  	_ =	shalt  }
0x7a: {  	_ =	shalt  }
0x7b: {  	_ =	shalt  }
0x7c: {  	_ =	shalt  }
0x7d: {  	_ =	shalt  }
0x7e: {  	_ =	shalt  }
0x7f: {  	_ =	shalt  }
0x80: {  	_ =	shalt  }
0x81: {  	_ =	shalt  }
0x82: {  	_ =	shalt  }
0x83: {  	_ =	shalt  }
0x84: {  	_ =	shalt  }
0x85: {  	_ =	shalt  }
0x86: {  	_ =	shalt  }
0x87: {  	_ =	shalt  }
.Lfunc_end0:
.L_simem_size_0:
called_computation_lowered:
.L_overlay_start_0:
0x88: {  	s2 =	sld [smem:$0x3FD9]  }
0x89: {  	s3 =	sld [smem:$0x3FFE];
	_ =	sdelay $0x1  }
0x8a: {  	s1 =	srdreg.scid  }
0x8b: {  	s0 =	sand.u32 $0x1, s1  }
0x8c: {  	s18 =	sshll.u32 s0, $0xA;
	s2 =	sadd.s32 s3, s2  }
0x8d: {  	s2 =	sadd.s32 s2, s18  }
0x8e: {  	[smem:$0x3FC5] =	sst s2  }
0x8f: {  	_ = 	snop  }
0x90: {  	s2 =	sld [smem:$0x3FC9]  }
0x91: {  	s19 =	sld [smem:$0x3FC8]  }
0x92: {  	s4 =	sld [smem:$0x3FC7];
	(tm) =	ssettm $0x1  }
0x93: {  	s5 =	sld [smem:$0x3FFB];
	_ =	sdelay $0x3  }
0x94: {  	_ =	strace s5  }
0x95: {  	s5 =	sld [smem:$0x3FFC];
	_ =	sdelay $0x3  }
0x96: {  	_ =	strace s5  }
0x97: {  	s5 =	sld [smem:$0x3FFD];
	_ =	sdelay $0x3  }
0x98: {  	_ =	strace s5  }
0x99: {  	_ =	strace $0x8FFFFFFF  }
0x9a: {  	s20 =	sld [smem:$0x3FDB];
	_ =	sdelay $0x1  }
0x9b: {  	s6 =	simm.s32 $_scs_section_size  }
0x9c: {  	s7 =	simm.s32 $_size__tile_overlayer_lowered;
	s8 =	simm.s32 $_tile_overlayer_lowered  }
0x9d: {  	s23 =	simm.s32 $0x1BFF;
	s22 =	sshll.u32 s8, $0x1;
	s5 =	sadd.s32 s6, s20  }
0x9e: {  	s9 =	simm.s32 $0x0;
	s21 =	sshll.u32 s7, $0x1;
	s7 =	sadd.s32 s22, s5  }
0x9f: {  	[timem:s9], [sflag:s23] =	dma.local [hbm:s7], s21  }
0xa0: {  	_ =	swait.ge [sflag:s23], s21  }
0xa1: {  	s6 =	ssub.s32 $0x0, s21;
	[sflag:s23] =	ssyncset.done $0x0  }
0xa2: {  	[sflag:s23] =	ssyncadd.s32 s6;
	_ =	sdelay $0x1  }
0xa3: {  	s24 =	simm.s32 $0x1B8B  }
0xa4: {  	_ =	swait.ge [sflag:s24], $0x1  }
0xa5: {  	[sflag:s24] =	ssyncset.done $0x0  }
0xa6: {  	s25 =	simm.s32 $0x1B8E;
	[sflag:s24] =	ssyncadd.s32 $0xFFFFFFFF  }
0xa7: {  	s26 =	simm.s32 $execute0_lowered;
	[smem:$0x3FD2] =	sst s25  }
0xa8: {  	s6 =	sshll.u32 s26, $0x1;
	_ =	strace $0x80000046;
	[dreg:$0x1] =	wrdreg $0xFFFFFFFF  }
0xa9: {  	s28 =	simm.s32 $_size_execute0_lowered;
	s5 =	sadd.s32 s5, s6;
	[dreg:$0x0] =	wrdreg $0x0  }
0xaa: {  	s6 =	sshll.u32 s28, $0x1;
	[dreg:$0x2] =	wrdreg s5  }
0xab: {  	[dreg:$0x3] =	wrdreg s6  }
0xac: {  	[dreg:$0x4] =	wrdreg $0xC0  }
0xad: {  	_ =	task [dreg:s9], $0x5FFFF  }
0xae: {  	[dreg:$0x1] =	wrdreg $0xFFFFFFFF  }
0xaf: {  	[dreg:$0x0] =	wrdreg $0x60  }
0xb0: {  	[dreg:$0x2] =	wrdreg s2  }
0xb1: {  	[dreg:$0x3] =	wrdreg s19  }
0xb2: {  	[dreg:$0x4] =	wrdreg s4  }
0xb3: {  	[dreg:$0x5] =	wrdreg $0x9  }
0xb4: {  	_ =	task.clear_ibuf [dreg:s9], $0x6FFFF;
	_ =	strace $0x90000046  }
0xb5: {  	s29 =	simm.s32 $0x9;
	_ =	strace $0x80000048  }
0xb6: {  	_ =	swait.ge [sflag:s29], $0x1  }
0xb7: {  	[sflag:s29] =	ssyncadd.s32 $0xFFFFFFFF  }
0xb8: {  	_ =	strace $0x90000048  }
0xb9: {  	_ =	sfence  }
0xba: {  	s30 =	sld [smem:$0x0];
	_ =	sdelay $0x2  }
0xbb: {  	s31 =	sshll.u32 s1, $0xD;
	s1 =	sshrl.u32 s1, $0x2  }
0xbc: {  	s3 =	sand.u32 $0x4000, s31;
	s1 =	sadd.s32 s1, s30  }
0xbd: {  	s0 =	sor.u32 s3, s0;
	s1 =	sshll.u32 s1, $0x11  }
0xbe: {  	s0 =	sor.u32 s1, s0  }
0xbf: {  	s0 =	sadd.s32 $0x8F2B, s0  }
0xc0: {  	[sflag:s0] =	ssyncadd.remote.s32 $0x1  }
0xc1: {  	_ =	sfence.sel $0xFFFF  }
0xc2: {  	[dreg:$0x0] =	wrdreg $0xFFFFFFFF;
	(pc) =	sbr.abs _section_cstart, $3  }
0xc3: {  	[dreg:$0x1] =	wrdreg $0xFFFFFFFF  }
0xc4: {  	_ =	task.clear_ibuf [dreg:s9], $0x2FFFF;
	_ =	strace $0x9FFFFFFF  }
0xc5: {  	(tm) =	ssettm $0x7FFFFFFF  }
tec
execute0_lowered:
.L_overlay_start_1:
0x0: {  	(tag) =	ssettag $0x1  }
0x1: {  	s2 =	srdreg.scid;
	s1 =	rddreg [dreg:$0x0]  }
0x2: {  	s0 =	stileid.u32;
	s3 =	rddreg [dreg:$0x1]  }
0x3: {  	s4 =	rddreg [dreg:$0x2];
	s6 =	sand.u32 $0x1, s2;
	s31 =	sshll.u32 s0, $0x1  }
0x4: {  	s5 =	simm.s32 $0x0;
	s10 =	simm.s32 $0x800;
	s2 =	sor.u32 s6, s31  }
0x5: {  	s12 =	simm.s32 $0x9100;
	s13 =	simm.s32 $0x0;
	s7 =	smul.u32 $0x64, s2  }
.Ltmp0:
0x6: {  	[smem:$0x7FF] =	sst s5;
	s6 =	ssub.s32 $0x2, s6;
	(pc) =	sbr.rel .LBB2_1-.Ltmp0, $4  }
0x7: {  	s2 =	rddreg [dreg:$0x3];
	s8 =	sshrl.u32 s6, $0x1;
	s9 =	sadd.s32 $0x64, s7  }
0x8: {  	s8 =	ssub.s32 s6, s8;
	s6 =	sshrl.u32 s7, $0x5;
	s11 =	sshrl.u32 s9, $0x5  }
0x9: {  	v2 =	vlaneseq.u32;
	v3 =	vimm.s32 $0x1FC00;
	_ =	strace $0x80000047;
	s8 =	smax.u32 s8, $0x1;
	s7 =	ssub.s32 s11, s6  }
0xa: {  	v2 =	vmul.u32 $0x20000, v2;
	v0 =	vmov s6;
	s9 =	simm.s32 $0x2;
	v1 =	vmov s11;
	s11 =	simm.s32 $0x1;
	p0 =	slt.s32 s7, $0x1  }
.LBB2_15:
0xb: {  	s13 =	sadd.s32 $0x1, s13  }
0xc: {  	p1 =	sne.s32 s13, s8  }
.Ltmp1:
0xd: {  	_ = 	snop;
	(pc) =	sbr.rel @!p1 .LBB2_16-.Ltmp1, $1  }
0xe: {  	_ =	sdelay $0x3  }
.LBB2_1:
0xf: {  	s14 =	simm.s32 $0x0;
	s15 =	simm.s32 $0x0;
	s16 =	simm.s32 $0x0  }
.LBB2_2:
0x10: {  	s17 =	sshll.u32 s16, $0x8  }
0x11: {  	s19 =	simm.s32 $0x0;
	s18 =	sadd.s32 s1, s17  }
0x12: {  	[tilespmem:s19], [sflag:$0x2] =	stream.linear.gather [hbm4b:s18+s19], $0x800, $0x38;
	[tilespmem:$0x19100] =	vst v63  }
0x13: {  	_ =	swait.ge [sflag:s9], $0x800  }
0x14: {  	[sflag:s9] =	ssyncset.done $0x0  }
0x15: {  	s17 =	sadd.s32 s3, s17;
	[sflag:s9] =	ssyncadd.s32 $0xFFFFF800  }
0x16: {  	[tilespmem:s10], [sflag:$0x2] =	stream.linear.gather [hbm4b:s17+s19], $0x800, $0x38;
	[tilespmem:$0x19100] =	vst v63  }
0x17: {  	_ =	swait.ge [sflag:s9], $0x800  }
0x18: {  	[sflag:s9] =	ssyncset.done $0x0  }
0x19: {  	s30 =	simm.s32 $0x0;
	[sflag:s9] =	ssyncadd.s32 $0xFFFFF800  }
0x1a: {  	v4 =	vld [tilespmem:s30+$0x0];
	_ =	sdelay $0x4  }
0x1b: {  	vm0 =	vge.s32 v4, v0;
	vm1 =	vlt.s32 v4, v1  }
0x1c: {  	vm0 =	vmand vm0, vm1  }
0x1d: {  	v5 =	vmpcnt.ones.xlane vm0  }
0x1e: {  	v6 =	vld [tilespmem:s30+$0x800]  }
0x1f: {  	v7 =	vmov s14;
	(v2sf) =	vpush v5, $0x0  }
0x20: {  	v5 =	vshll.u32 v7, $0x11  }
0x21: {  	v4 =	vshll.u32 v4, $0xA;
	v5 =	vor.u32 v2, v5  }
0x22: {  	v4 =	vadd.s32 v5, v4  }
0x23: {  	v4 =	vadd.s32 v6, v4  }
0x24: {  	s31 =	simm.s32 $0x10;
	[tilespmem:s15+$0x1000] =	vst.msk vm0, v4  }
0x25: {  	v4 =	vld [tilespmem:s31+$0x0];
	_ =	sdelay $0x3  }
0x26: {  	s17 =	sadd.s32 $0x10, s14;
	v5 =	vld [tilespmem:s31+$0x800]  }
0x27: {  	v6 =	vmov s17;
	vm0 =	vge.s32 v4, v0;
	vm1 =	vlt.s32 v4, v1  }
0x28: {  	v6 =	vshll.u32 v6, $0x11;
	vm0 =	vmand vm0, vm1  }
0x29: {  	v6 =	vor.u32 v2, v6;
	v4 =	vshll.u32 v4, $0xA;
	v7 =	vmpcnt.ones.xlane vm0  }
0x2a: {  	v4 =	vadd.s32 v6, v4  }
0x2b: {  	s18 =	simm.s32 $0x80;
	v4 =	vadd.s32 v5, v4;
	(v2sf) =	vpush v7, $0x0;
	s19 =	spop (v2sf)  }
.LBB2_3:
0x2c: {  	p1 =	sne.s32 s18, $0x1FC0  }
0x2d: {  	s15 =	sadd.s32 s15, s19;
	s19 =	smov.u32 s18;
	s18 =	sadd.s32 $0x40, s18  }
0x2e: {  	[tilespmem:s15+$0x1000] =	vst.msk vm0, v4  }
0x2f: {  	s19 =	sshra.s32 s19, $0x2  }
0x30: {  	v4 =	vld [tilespmem:s19+$0x0];
	_ =	sdelay $0x1  }
0x31: {  	s17 =	sadd.s32 $0x10, s17;
	v5 =	vld [tilespmem:s19+$0x800]  }
0x32: {  	v6 =	vmov s17  }
0x33: {  	v6 =	vshll.u32 v6, $0x11  }
0x34: {  	vm0 =	vge.s32 v4, v0;
	vm1 =	vlt.s32 v4, v1;
	v4 =	vshll.u32 v4, $0xA  }
.Ltmp2:
0x35: {  	v6 =	vor.u32 v2, v6;
	vm0 =	vmand vm0, vm1;
	(pc) =	sbr.rel @p1 .LBB2_3-.Ltmp2, $4  }
0x36: {  	v4 =	vadd.s32 v6, v4;
	v6 =	vmpcnt.ones.xlane vm0  }
0x37: {  	v4 =	vadd.s32 v5, v4  }
0x38: {  	(v2sf) =	vpush v6, $0x0  }
0x39: {  	s19 =	spop (v2sf)  }
0x3a: {  	_ =	sdelay $0x7  }
0x3b: {  	s16 =	sadd.s32 $0x1, s16  }
0x3c: {  	p1 =	sne.s32 s16, $0x8  }
.Ltmp3:
0x3d: {  	_ = 	snop;
	(pc) =	sbr.rel @p1 .LBB2_2-.Ltmp3, $3  }
0x3e: {  	_ =	sdelay $0x1  }
0x3f: {  	s15 =	sadd.s32 s15, s19;
	s17 =	spop (v2sf)  }
0x40: {  	s14 =	sadd.s32 $0x800, s14;
	[tilespmem:s15+$0x1000] =	vst.msk vm0, v4;
	s15 =	sadd.s32 s15, s17  }
.Ltmp4:
0x41: {  	(pc) =	sbr.rel @p0 .LBB2_15-.Ltmp4, $2  }
0x42: {  	_ =	sdelay $0x2  }
0x43: {  	[tilespmem:s15+$0x1000] =	vst v3  }
0x44: {  	s14 =	sadd.s32 $0xF, s15  }
0x45: {  	s15 =	sand.u32 $0xF, s14;
	s16 =	sshra.s32 s14, $0x1F  }
.Ltmp5:
0x46: {  	p1 =	slt.s32 s14, $0x1;
	p2 =	sne.s32 s15, $0x0;
	(pc) =	sbr.rel .LBB2_7-.Ltmp5, $4  }
0x47: {  	s31 =	sshrl.u32 s16, $0x1C;
	p1 =	por !p1, !p2  }
0x48: {  	s15 =	simm.s32 $0x1;
	s14 =	sadd.s32 s31, s14;
	p1 =	por !p1, !p1  }
0x49: {  	s14 =	sshra.s32 s14, $0x4;
	s15 =	simm.s32 @!p1 $0x0  }
0x4a: {  	s16 =	simm.s32 $0x0;
	s14 =	ssub.s32 s14, s15;
	s15 =	simm.s32 $0x0  }
.LBB2_9:
0x4b: {  	s17 =	smov.u32 s15  }
.LBB2_13:
0x4c: {  	v6 =	vshrl.u32 v5, $0xA  }
0x4d: {  	v6 =	vand.u32 $0x7F, v6  }
0x4e: {  	vm0 =	veq.s32 v6, v4  }
0x4f: {  	v4 =	vmpcnt.ones.xlane vm0;
	_ =	sdelay $0x1  }
0x50: {  	(v2sf) =	vpush v4, $0x0;
	_ =	sdelay $0xc  }
0x51: {  	s18 =	spop @p1 (v2sf)  }
0x52: {  	s17 =	sadd.s32 @p1 s17, s18;
	s18 =	smov.u32 s15  }
0x53: {  	s18 =	smov.u32 @p1 s17;
	s31 =	spop (v2sf)  }
0x54: {  	[tilespmem:s18+$0x5080] =	vst.msk vm0, v5;
	s17 =	sadd.s32 s18, s31  }
.LBB2_14:
0x55: {  	s18 =	sadd.s32 $0xFFFFFFFF, s17;
	s19 =	ssub.s32 s17, s15  }
0x56: {  	p1 =	sgt.s32 s18, $0x0;
	s29 =	sadd.s32 $0xF, s19  }
0x57: {  	s18 =	simm.s32 @!p1 $0x0;
	s19 =	sand.u32 $0xF, s29  }
0x58: {  	s30 =	sshra.s32 s29, $0x1F;
	p2 =	slt.s32 s29, $0x1;
	v4 =	vld.msk [tilespmem:s18+$0x5080 ss:$0x0], $0xffff;
	p6 =	sne.s32 s19, $0x0  }
0x59: {  	s16 =	sadd.s32 $0x1, s16;
	s19 =	sshrl.u32 s30, $0x1C;
	p1 =	por !p2, !p6  }
0x5a: {  	s18 =	sadd.s32 s19, s29;
	s19 =	simm.s32 $0x1;
	p1 =	por !p1, !p1  }
0x5b: {  	s19 =	simm.s32 @!p1 $0x0;
	p1 =	slt.s32 s16, s7  }
.Ltmp6:
0x5c: {  	_ = 	snop;
	(pc) =	sbr.rel @!p1 .LBB2_15-.Ltmp6, $4  }
0x5d: {  	s31 =	sshrl.u32 s18, $0x4;
	[tilespmem:s17+$0x5080] =	vst v4  }
0x5e: {  	s17 =	ssub.s32 s31, s19;
	_ =	swait.ge [sflag:s11], $0x10000  }
0x5f: {  	s17 =	sshll.u32 s17, $0x4;
	[sflag:s11] =	ssyncset.done $0x0  }
0x60: {  	s15 =	sadd.s32 s15, s17;
	[sflag:s11] =	ssyncadd.s32 $0xFFFF0000  }
.LBB2_7:
0x61: {  	p1 =	slt.s32 s14, $0x1  }
.Ltmp7:
0x62: {  	s18 =	sadd.s32 s6, s16;
	(pc) =	sbr.rel @p1 .LBB2_14-.Ltmp7, $4  }
0x63: {  	s17 =	sshll.u32 s18, $0xD  }
0x64: {  	s17 =	sadd.s32 s4, s17  }
0x65: {  	[tilespmem:s12], [sflag:$0x1] =	stream.linear.gather [hbm4b:s17+s5], $0x10000, $0x38;
	[tilespmem:$0x19100] =	vst v63  }
0x66: {  	s17 =	smov.u32 s15  }
0x67: {  	s17 =	simm.s32 $0x1000;
	p2 =	sne.s32 s14, $0x1  }
.Ltmp8:
0x68: {  	v5 =	vld [tilespmem:s17+$0x0];
	(pc) =	sbr.rel @!p2 .LBB2_9-.Ltmp8, $2  }
0x69: {  	_ =	sdelay $0x2  }
0x6a: {  	v4 =	vmov s18;
	p1 =	por $0x0, $0x0;
	s17 =	sadd.s32 $0xFFFFFFFF, s14  }
0x6b: {  	v6 =	vshrl.u32 v5, $0xA  }
0x6c: {  	v6 =	vand.u32 $0x7F, v6  }
0x6d: {  	vm0 =	veq.s32 v6, v4  }
0x6e: {  	v6 =	vmpcnt.ones.xlane vm0;
	_ =	sdelay $0x1  }
0x6f: {  	(v2sf) =	vpush v6, $0x0  }
0x70: {  	p2 =	sne.s32 s17, $0x1;
	s18 =	simm.s32 $0x1010;
	[tilespmem:s15+$0x5080] =	vst.msk vm0, v5  }
.Ltmp9:
0x71: {  	v5 =	vld [tilespmem:s18+$0x0];
	(pc) =	sbr.rel @!p2 .LBB2_11-.Ltmp9, $2  }
0x72: {  	_ =	sdelay $0x2  }
0x73: {  	s19 =	sadd.s32 $0xFFFFFFFF, s17;
	p1 =	por $0x1, $0x1;
	s17 =	smov.u32 s15  }
.LBB2_12:
0x74: {  	p2 =	sne.s32 s19, $0x1;
	_ =	sdelay $0x3  }
0x75: {  	v6 =	vshrl.u32 v5, $0xA  }
0x76: {  	v6 =	vand.u32 $0x7F, v6  }
0x77: {  	vm0 =	veq.s32 v6, v4  }
0x78: {  	v6 =	vmpcnt.ones.xlane vm0  }
0x79: {  	s20 =	spop (v2sf)  }
0x7a: {  	(v2sf) =	vpush v6, $0x0;
	s17 =	sadd.s32 s17, s20  }
0x7b: {  	[tilespmem:s17+$0x5080] =	vst.msk vm0, v5  }
.Ltmp10:
0x7c: {  	(pc) =	sbr.rel @p2 .LBB2_12-.Ltmp10, $3  }
0x7d: {  	_ =	sdelay $0x1  }
0x7e: {  	s18 =	sadd.s32 $0x10, s18  }
0x7f: {  	s19 =	sadd.s32 $0xFFFFFFFF, s19;
	v5 =	vld [tilespmem:s18+$0x0]  }
.Ltmp11:
0x80: {  	_ = 	snop;
	(pc) =	sbr.rel .LBB2_13-.Ltmp11, $1  }
0x81: {  	_ =	sdelay $0x3  }
.LBB2_11:
.Ltmp12:
0x82: {  	(pc) =	sbr.rel .LBB2_13-.Ltmp12, $2  }
0x83: {  	_ =	sdelay $0x2  }
0x84: {  	s17 =	smov.u32 s15  }
.LBB2_16:
0x85: {  	_ =	sfence.sel $0x180000  }
0x86: {  	[bflag:$0x0] =	sbarrier.arrive $0xFFFF  }
0x87: {  	p0 =	sne.s32 s0, $0x0;
	_ =	strace $0x90000047  }
0x88: {  	s0 =	sadd.s32 @!p0 $0x100000, s2;
	[bflag:$0x2] =	sbarrier.arrive $0xFFFF  }
0x89: {  	[sflag:s0] =	ssyncadd.tile.s32 @!p0 $0x1;
	_ =	shalt  }
.Lfunc_end2:
_tile_overlayer_lowered:
.L_overlay_start_2:
0x8a: {  	(tag) =	ssettag $0x2  }
0x8b: {  	s0 =	rddreg [dreg:$0x0];
	s2 =	stileid.u32  }
0x8c: {  	s1 =	rddreg [dreg:$0x1];
	p0 =	sne.s32 s2, $0x0  }
0x8d: {  	s3 =	rddreg [dreg:$0x2];
	[bflag:$0x3] =	sbarrier.arrive $0xFFFF;
	s2 =	simm.s32 @!p0 $0x1C02  }
0x8e: {  	[timem:s3], [sflag:s2] =	dma.local @!p0 [hbm:s0], s1  }
0x8f: {  	s0 =	simm.s32 @!p0 $0x2  }
0x90: {  	_ =	swait.ge @!p0 [sflag:s0], s1  }
0x91: {  	s1 =	ssub.s32 @!p0 $0x0, s1;
	[sflag:s0] =	ssyncset.done @!p0 $0x0  }
0x92: {  	[sflag:s0] =	ssyncadd.s32 @!p0 s1  }
0x93: {  	[bflag:$0x3] =	sbarrier.arrive $0xFFFF  }
0x94: {  	_ =	shalt  }

</sc_bundles>
